<compile_context>
chip_gen: v7x
topology: tpu7x:2x2x1
jax: 0.10.2.dev20260603
libtpu: 0.0.44.dev20260713+nightly
codegen_flags: <defaults>
</compile_context>

<pallas_src>
import functools

import jax
import jax.numpy as jnp
from jax import lax
from jax.experimental import pallas as pl
from jax.experimental.pallas import tpu as pltpu
from jax.experimental.pallas import tpu_sc as plsc

_HIDDEN = 2048
_EXPERTS = 16
_TOKENS = 16384
_THRESH = 0.2
_BM = 1024

_info = plsc.get_sparse_core_info()
_NC, _NSUB, _L = _info.num_cores, _info.num_subcores, _info.num_lanes
_NW = _NC * _NSUB
_CHUNK = _TOKENS // _NW


def _logits_block(h_ref, w_ref, b_ref, out_ref):
    out_ref[...] = lax.dot_general(
        w_ref[...], h_ref[...], (((1,), (1,)), ((), ())),
        preferred_element_type=jnp.float32,
    ) + b_ref[...]


def _tc_logits(hidden_states, W, b2):
    grid = (_TOKENS // _BM,)
    return pl.pallas_call(
        _logits_block,
        grid=grid,
        in_specs=[
            pl.BlockSpec((_BM, _HIDDEN), lambda i: (i, 0)),
            pl.BlockSpec((_EXPERTS, _HIDDEN), lambda i: (0, 0)),
            pl.BlockSpec((_EXPERTS, 1), lambda i: (0, 0)),
        ],
        out_specs=pl.BlockSpec((_EXPERTS, _BM), lambda i: (0, i)),
        out_shape=jax.ShapeDtypeStruct((_EXPERTS, _TOKENS), jnp.float32),
        compiler_params=pltpu.CompilerParams(
            dimension_semantics=("parallel",),
        ),
    )(hidden_states, W, b2)


@functools.partial(
    pl.kernel,
    mesh=plsc.VectorSubcoreMesh(core_axis_name="c", subcore_axis_name="s"),
    out_type=(
        jax.ShapeDtypeStruct((2, _TOKENS), jnp.int32),
        jax.ShapeDtypeStruct((2, _TOKENS), jnp.float32),
    ),
    scratch_types=[
        pltpu.VMEM((_EXPERTS, _CHUNK), jnp.float32),
        pltpu.VMEM((2, _CHUNK), jnp.int32),
        pltpu.VMEM((2, _CHUNK), jnp.float32),
    ],
)
def _sc_top2(logits_hbm, idx_hbm, mask_hbm, l_v, idx_v, mask_v):
    wid = lax.axis_index("s") * _NC + lax.axis_index("c")
    base = wid * _CHUNK
    pltpu.sync_copy(logits_hbm.at[:, pl.ds(base, _CHUNK)], l_v)

    def group(g, carry):
        off = g * _L
        m1 = l_v[0, pl.ds(off, _L)]
        i1 = jnp.zeros((_L,), jnp.int32)
        m2 = jnp.full((_L,), -jnp.inf, jnp.float32)
        i2 = jnp.zeros((_L,), jnp.int32)
        for e in range(1, _EXPERTS):
            le = l_v[e, pl.ds(off, _L)]
            ev = jnp.full((_L,), e, jnp.int32)
            is1 = le > m1
            is2 = le > m2
            m2n = jnp.where(is2, le, m2)
            i2n = jnp.where(is2, ev, i2)
            m2 = jnp.where(is1, m1, m2n)
            i2 = jnp.where(is1, i1, i2n)
            m1 = jnp.where(is1, le, m1)
            i1 = jnp.where(is1, ev, i1)
        idx_v[0, pl.ds(off, _L)] = i1
        idx_v[1, pl.ds(off, _L)] = i2
        one = jnp.ones((_L,), jnp.float32)
        zero = jnp.zeros((_L,), jnp.float32)
        mask_v[0, pl.ds(off, _L)] = jnp.where(m1 > _THRESH, one, zero)
        mask_v[1, pl.ds(off, _L)] = jnp.where(m2 > _THRESH, one, zero)
        return carry

    lax.fori_loop(0, _CHUNK // _L, group, 0)
    pltpu.sync_copy(idx_v, idx_hbm.at[:, pl.ds(base, _CHUNK)])
    pltpu.sync_copy(mask_v, mask_hbm.at[:, pl.ds(base, _CHUNK)])


def kernel(hidden_states, W, b):
    b2 = b.reshape(_EXPERTS, 1)
    logits_t = _tc_logits(hidden_states, W, b2)
    idx_t, mask_t = _sc_top2(logits_t)
    return (idx_t.T, mask_t.T)

# --- scband reference (transcript-rebuilt; emitter-appended) ---
"""Pipeline reference for scband-skip-router-29635274342472 (READ-ONLY COPY).

The authoritative reference and input builder live on the scoring server;
editing this copy changes nothing except your own understanding.
"""

import jax, jax.numpy as jnp
import numpy as np

HIDDEN = 2048
NUM_EXPERTS = 16
TOP_K = 2
SKIP_THRESHOLD = 0.2
SKIP_ENABLED = True
TOKENS = 16384


def setup_inputs(seed: int = 0) -> dict:
    key = jax.random.key(seed)
    k1, k2, k3 = jax.random.split(key, 3)
    hidden_states = jax.random.normal(k1, (TOKENS, HIDDEN), dtype=jnp.float32)
    # nn.Linear(hidden_size, num_experts): weight [num_experts, hidden_size], bias [num_experts]
    bound = 1.0 / np.sqrt(HIDDEN)
    W = jax.random.uniform(k2, (NUM_EXPERTS, HIDDEN), dtype=jnp.float32, minval=-bound, maxval=bound)
    b = jax.random.uniform(k3, (NUM_EXPERTS,), dtype=jnp.float32, minval=-bound, maxval=bound)
    return {"hidden_states": hidden_states, "W": W, "b": b}


def reference(hidden_states, W, b):
    logits = hidden_states @ W.T + b
    top_values, top_indices = jax.lax.top_k(logits, TOP_K)
    if SKIP_ENABLED:
        mask = (top_values > SKIP_THRESHOLD).astype(jnp.float32)
    else:
        mask = jnp.ones_like(top_values)
    return (top_indices, mask)

if __name__ == "__main__":
    import jax
    _d = setup_inputs()
    print(jax.jit(kernel)(*tuple(_d.values())))

</pallas_src>

<mosaic_0001>
#map = affine_map<(d0, d1) -> (0, 0)>
module attributes {stable_mosaic.version = 14 : i64} {
  func.func @_sc_top2(%arg0: i32, %arg1: i32, %arg2: memref<16x16384xf32, #tpu.memory_space<hbm>>, %arg3: memref<2x16384xi32, #tpu.memory_space<hbm>>, %arg4: memref<2x16384xf32, #tpu.memory_space<hbm>>, %arg5: memref<16x512xf32, #tpu.memory_space<vmem>>, %arg6: memref<2x512xi32, #tpu.memory_space<vmem>>, %arg7: memref<2x512xf32, #tpu.memory_space<vmem>>) attributes {dimension_semantics = [#tpu.dimension_semantics<core_parallel>, #tpu.dimension_semantics<subcore_parallel>], iteration_bounds = array<i64: 2, 16>, scalar_prefetch = 0 : i64, scratch_operands = 3 : i64, tpu.core_type = #tpu.core_type<sc_vector_subcore>, window_params = [{transform_indices = #map}, {transform_indices = #map}, {transform_indices = #map}]} {
    %mul3A = arith.constant 2 : i32
    %mul3A_0 = arith.muli %arg1, %mul3A : i32
    %add3A = arith.addi %mul3A_0, %arg0 : i32
    %mul3A_1 = arith.constant 512 : i32
    %mul3A_2 = arith.muli %add3A, %mul3A_1 : i32
    "tpu.region"() ({
      %run_scoped3A = tpu.sem_alloc : memref<!tpu.dma_semaphore, #tpu.memory_space<semaphore_mem>>
      %dma_start3A = arith.constant 0 : i32
      %dma_start3A_8 = tpu.memref_slice %arg2[%dma_start3A, %mul3A_2] : memref<16x16384xf32, #tpu.memory_space<hbm>> -> memref<16x512xf32, #tpu.memory_space<hbm>>
      %dma_start3A_9 = arith.constant 0 : i32
      %dma_start3A_10 = tpu.memref_slice %arg2[%dma_start3A_9, %mul3A_2] : memref<16x16384xf32, #tpu.memory_space<hbm>> -> memref<16x512xf32, #tpu.memory_space<hbm>>
      tpu.enqueue_dma source(%dma_start3A_10 : memref<16x512xf32, #tpu.memory_space<hbm>>) target(%arg5 : memref<16x512xf32, #tpu.memory_space<vmem>>) target_semaphore(%run_scoped3A : memref<!tpu.dma_semaphore, #tpu.memory_space<semaphore_mem>>)
      %dma_wait3A = arith.constant 0 : i32
      %dma_wait3A_11 = tpu.memref_slice %arg2[%dma_wait3A, %mul3A_2] : memref<16x16384xf32, #tpu.memory_space<hbm>> -> memref<16x512xf32, #tpu.memory_space<hbm>>
      %dma_wait3A_12 = arith.constant 0 : i32
      %dma_wait3A_13 = tpu.memref_slice %arg2[%dma_wait3A_12, %mul3A_2] : memref<16x16384xf32, #tpu.memory_space<hbm>> -> memref<16x512xf32, #tpu.memory_space<hbm>>
      tpu.wait_dma2 semaphore(%run_scoped3A : memref<!tpu.dma_semaphore, #tpu.memory_space<semaphore_mem>>) src(%dma_wait3A_13 : memref<16x512xf32, #tpu.memory_space<hbm>>) dst(%arg5 : memref<16x512xf32, #tpu.memory_space<vmem>>)
      tpu.yield
    }) : () -> ()
    %scan3A = arith.constant 0 : i32
    %scan3A_3 = arith.constant 0 : i32
    %scan3A_4 = arith.constant 32 : i32
    %scan3A_5 = arith.addi %scan3A_3, %scan3A_4 : i32
    %scan3A_6 = arith.constant 1 : i32
    scf.for %scan3A_8 = %scan3A_3 to %scan3A_5 step %scan3A_6  : i32 {
      %mul3A_9 = arith.constant 16 : i32
      %mul3A_10 = arith.muli %scan3A_8, %mul3A_9 : i32
      %get3A = arith.constant 0 : i32
      %get3A_11 = arith.index_cast %get3A : i32 to index
      %get3A_12 = arith.index_cast %mul3A_10 : i32 to index
      %get3A_13 = tpu.vector_load %arg5[%get3A_11, %get3A_12] {strides = array<i32>} : memref<16x512xf32, #tpu.memory_space<vmem>>, vector<1x16xf32>,
      %get3A_14 = vector.shape_cast %get3A_13 : vector<1x16xf32> to vector<16xf32>
      %broadcast_in_dim3A = arith.constant 0 : i32
      %broadcast_in_dim3A_15 = vector.broadcast %broadcast_in_dim3A : i32 to vector<16xi32>
      %broadcast_in_dim3A_16 = arith.constant 0xFF800000 : f32
      %broadcast_in_dim3A_17 = vector.broadcast %broadcast_in_dim3A_16 : f32 to vector<16xf32>
      %broadcast_in_dim3A_18 = arith.constant 0 : i32
      %broadcast_in_dim3A_19 = vector.broadcast %broadcast_in_dim3A_18 : i32 to vector<16xi32>
      %get3A_20 = arith.constant 1 : i32
      %get3A_21 = arith.index_cast %get3A_20 : i32 to index
      %get3A_22 = arith.index_cast %mul3A_10 : i32 to index
      %get3A_23 = tpu.vector_load %arg5[%get3A_21, %get3A_22] {strides = array<i32>} : memref<16x512xf32, #tpu.memory_space<vmem>>, vector<1x16xf32>,
      %get3A_24 = vector.shape_cast %get3A_23 : vector<1x16xf32> to vector<16xf32>
      %broadcast_in_dim3A_25 = arith.constant 1 : i32
      %broadcast_in_dim3A_26 = vector.broadcast %broadcast_in_dim3A_25 : i32 to vector<16xi32>
      %gt3A = arith.cmpf ogt, %get3A_24, %get3A_14 : vector<16xf32>
      %gt3A_27 = arith.cmpf ogt, %get3A_24, %broadcast_in_dim3A_17 : vector<16xf32>
      %select_n3A = arith.select %gt3A_27, %get3A_24, %broadcast_in_dim3A_17 : vector<16xi1>, vector<16xf32>
      %select_n3A_28 = arith.select %gt3A_27, %broadcast_in_dim3A_26, %broadcast_in_dim3A_19 : vector<16xi1>, vector<16xi32>
      %select_n3A_29 = arith.select %gt3A, %get3A_14, %select_n3A : vector<16xi1>, vector<16xf32>
      %select_n3A_30 = arith.select %gt3A, %broadcast_in_dim3A_15, %select_n3A_28 : vector<16xi1>, vector<16xi32>
      %select_n3A_31 = arith.select %gt3A, %get3A_24, %get3A_14 : vector<16xi1>, vector<16xf32>
      %select_n3A_32 = arith.select %gt3A, %broadcast_in_dim3A_26, %broadcast_in_dim3A_15 : vector<16xi1>, vector<16xi32>
      %get3A_33 = arith.constant 2 : i32
      %get3A_34 = arith.index_cast %get3A_33 : i32 to index
      %get3A_35 = arith.index_cast %mul3A_10 : i32 to index
      %get3A_36 = tpu.vector_load %arg5[%get3A_34, %get3A_35] {strides = array<i32>} : memref<16x512xf32, #tpu.memory_space<vmem>>, vector<1x16xf32>,
      %get3A_37 = vector.shape_cast %get3A_36 : vector<1x16xf32> to vector<16xf32>
      %broadcast_in_dim3A_38 = arith.constant 2 : i32
      %broadcast_in_dim3A_39 = vector.broadcast %broadcast_in_dim3A_38 : i32 to vector<16xi32>
      %gt3A_40 = arith.cmpf ogt, %get3A_37, %select_n3A_31 : vector<16xf32>
      %gt3A_41 = arith.cmpf ogt, %get3A_37, %select_n3A_29 : vector<16xf32>
      %select_n3A_42 = arith.select %gt3A_41, %get3A_37, %select_n3A_29 : vector<16xi1>, vector<16xf32>
      %select_n3A_43 = arith.select %gt3A_41, %broadcast_in_dim3A_39, %select_n3A_30 : vector<16xi1>, vector<16xi32>
      %select_n3A_44 = arith.select %gt3A_40, %select_n3A_31, %select_n3A_42 : vector<16xi1>, vector<16xf32>
      %select_n3A_45 = arith.select %gt3A_40, %select_n3A_32, %select_n3A_43 : vector<16xi1>, vector<16xi32>
      %select_n3A_46 = arith.select %gt3A_40, %get3A_37, %select_n3A_31 : vector<16xi1>, vector<16xf32>
      %select_n3A_47 = arith.select %gt3A_40, %broadcast_in_dim3A_39, %select_n3A_32 : vector<16xi1>, vector<16xi32>
      %get3A_48 = arith.constant 3 : i32
      %get3A_49 = arith.index_cast %get3A_48 : i32 to index
      %get3A_50 = arith.index_cast %mul3A_10 : i32 to index
      %get3A_51 = tpu.vector_load %arg5[%get3A_49, %get3A_50] {strides = array<i32>} : memref<16x512xf32, #tpu.memory_space<vmem>>, vector<1x16xf32>,
      %get3A_52 = vector.shape_cast %get3A_51 : vector<1x16xf32> to vector<16xf32>
      %broadcast_in_dim3A_53 = arith.constant 3 : i32
      %broadcast_in_dim3A_54 = vector.broadcast %broadcast_in_dim3A_53 : i32 to vector<16xi32>
      %gt3A_55 = arith.cmpf ogt, %get3A_52, %select_n3A_46 : vector<16xf32>
      %gt3A_56 = arith.cmpf ogt, %get3A_52, %select_n3A_44 : vector<16xf32>
      %select_n3A_57 = arith.select %gt3A_56, %get3A_52, %select_n3A_44 : vector<16xi1>, vector<16xf32>
      %select_n3A_58 = arith.select %gt3A_56, %broadcast_in_dim3A_54, %select_n3A_45 : vector<16xi1>, vector<16xi32>
      %select_n3A_59 = arith.select %gt3A_55, %select_n3A_46, %select_n3A_57 : vector<16xi1>, vector<16xf32>
      %select_n3A_60 = arith.select %gt3A_55, %select_n3A_47, %select_n3A_58 : vector<16xi1>, vector<16xi32>
      %select_n3A_61 = arith.select %gt3A_55, %get3A_52, %select_n3A_46 : vector<16xi1>, vector<16xf32>
      %select_n3A_62 = arith.select %gt3A_55, %broadcast_in_dim3A_54, %select_n3A_47 : vector<16xi1>, vector<16xi32>
      %get3A_63 = arith.constant 4 : i32
      %get3A_64 = arith.index_cast %get3A_63 : i32 to index
      %get3A_65 = arith.index_cast %mul3A_10 : i32 to index
      %get3A_66 = tpu.vector_load %arg5[%get3A_64, %get3A_65] {strides = array<i32>} : memref<16x512xf32, #tpu.memory_space<vmem>>, vector<1x16xf32>,
      %get3A_67 = vector.shape_cast %get3A_66 : vector<1x16xf32> to vector<16xf32>
      %broadcast_in_dim3A_68 = arith.constant 4 : i32
      %broadcast_in_dim3A_69 = vector.broadcast %broadcast_in_dim3A_68 : i32 to vector<16xi32>
      %gt3A_70 = arith.cmpf ogt, %get3A_67, %select_n3A_61 : vector<16xf32>
      %gt3A_71 = arith.cmpf ogt, %get3A_67, %select_n3A_59 : vector<16xf32>
      %select_n3A_72 = arith.select %gt3A_71, %get3A_67, %select_n3A_59 : vector<16xi1>, vector<16xf32>
      %select_n3A_73 = arith.select %gt3A_71, %broadcast_in_dim3A_69, %select_n3A_60 : vector<16xi1>, vector<16xi32>
      %select_n3A_74 = arith.select %gt3A_70, %select_n3A_61, %select_n3A_72 : vector<16xi1>, vector<16xf32>
      %select_n3A_75 = arith.select %gt3A_70, %select_n3A_62, %select_n3A_73 : vector<16xi1>, vector<16xi32>
      %select_n3A_76 = arith.select %gt3A_70, %get3A_67, %select_n3A_61 : vector<16xi1>, vector<16xf32>
      %select_n3A_77 = arith.select %gt3A_70, %broadcast_in_dim3A_69, %select_n3A_62 : vector<16xi1>, vector<16xi32>
      %get3A_78 = arith.constant 5 : i32
      %get3A_79 = arith.index_cast %get3A_78 : i32 to index
      %get3A_80 = arith.index_cast %mul3A_10 : i32 to index
      %get3A_81 = tpu.vector_load %arg5[%get3A_79, %get3A_80] {strides = array<i32>} : memref<16x512xf32, #tpu.memory_space<vmem>>, vector<1x16xf32>,
      %get3A_82 = vector.shape_cast %get3A_81 : vector<1x16xf32> to vector<16xf32>
      %broadcast_in_dim3A_83 = arith.constant 5 : i32
      %broadcast_in_dim3A_84 = vector.broadcast %broadcast_in_dim3A_83 : i32 to vector<16xi32>
      %gt3A_85 = arith.cmpf ogt, %get3A_82, %select_n3A_76 : vector<16xf32>
      %gt3A_86 = arith.cmpf ogt, %get3A_82, %select_n3A_74 : vector<16xf32>
      %select_n3A_87 = arith.select %gt3A_86, %get3A_82, %select_n3A_74 : vector<16xi1>, vector<16xf32>
      %select_n3A_88 = arith.select %gt3A_86, %broadcast_in_dim3A_84, %select_n3A_75 : vector<16xi1>, vector<16xi32>
      %select_n3A_89 = arith.select %gt3A_85, %select_n3A_76, %select_n3A_87 : vector<16xi1>, vector<16xf32>
      %select_n3A_90 = arith.select %gt3A_85, %select_n3A_77, %select_n3A_88 : vector<16xi1>, vector<16xi32>
      %select_n3A_91 = arith.select %gt3A_85, %get3A_82, %select_n3A_76 : vector<16xi1>, vector<16xf32>
      %select_n3A_92 = arith.select %gt3A_85, %broadcast_in_dim3A_84, %select_n3A_77 : vector<16xi1>, vector<16xi32>
      %get3A_93 = arith.constant 6 : i32
      %get3A_94 = arith.index_cast %get3A_93 : i32 to index
      %get3A_95 = arith.index_cast %mul3A_10 : i32 to index
      %get3A_96 = tpu.vector_load %arg5[%get3A_94, %get3A_95] {strides = array<i32>} : memref<16x512xf32, #tpu.memory_space<vmem>>, vector<1x16xf32>,
      %get3A_97 = vector.shape_cast %get3A_96 : vector<1x16xf32> to vector<16xf32>
      %broadcast_in_dim3A_98 = arith.constant 6 : i32
      %broadcast_in_dim3A_99 = vector.broadcast %broadcast_in_dim3A_98 : i32 to vector<16xi32>
      %gt3A_100 = arith.cmpf ogt, %get3A_97, %select_n3A_91 : vector<16xf32>
      %gt3A_101 = arith.cmpf ogt, %get3A_97, %select_n3A_89 : vector<16xf32>
      %select_n3A_102 = arith.select %gt3A_101, %get3A_97, %select_n3A_89 : vector<16xi1>, vector<16xf32>
      %select_n3A_103 = arith.select %gt3A_101, %broadcast_in_dim3A_99, %select_n3A_90 : vector<16xi1>, vector<16xi32>
      %select_n3A_104 = arith.select %gt3A_100, %select_n3A_91, %select_n3A_102 : vector<16xi1>, vector<16xf32>
      %select_n3A_105 = arith.select %gt3A_100, %select_n3A_92, %select_n3A_103 : vector<16xi1>, vector<16xi32>
      %select_n3A_106 = arith.select %gt3A_100, %get3A_97, %select_n3A_91 : vector<16xi1>, vector<16xf32>
      %select_n3A_107 = arith.select %gt3A_100, %broadcast_in_dim3A_99, %select_n3A_92 : vector<16xi1>, vector<16xi32>
      %get3A_108 = arith.constant 7 : i32
      %get3A_109 = arith.index_cast %get3A_108 : i32 to index
      %get3A_110 = arith.index_cast %mul3A_10 : i32 to index
      %get3A_111 = tpu.vector_load %arg5[%get3A_109, %get3A_110] {strides = array<i32>} : memref<16x512xf32, #tpu.memory_space<vmem>>, vector<1x16xf32>,
      %get3A_112 = vector.shape_cast %get3A_111 : vector<1x16xf32> to vector<16xf32>
      %broadcast_in_dim3A_113 = arith.constant 7 : i32
      %broadcast_in_dim3A_114 = vector.broadcast %broadcast_in_dim3A_113 : i32 to vector<16xi32>
      %gt3A_115 = arith.cmpf ogt, %get3A_112, %select_n3A_106 : vector<16xf32>
      %gt3A_116 = arith.cmpf ogt, %get3A_112, %select_n3A_104 : vector<16xf32>
      %select_n3A_117 = arith.select %gt3A_116, %get3A_112, %select_n3A_104 : vector<16xi1>, vector<16xf32>
      %select_n3A_118 = arith.select %gt3A_116, %broadcast_in_dim3A_114, %select_n3A_105 : vector<16xi1>, vector<16xi32>
      %select_n3A_119 = arith.select %gt3A_115, %select_n3A_106, %select_n3A_117 : vector<16xi1>, vector<16xf32>
      %select_n3A_120 = arith.select %gt3A_115, %select_n3A_107, %select_n3A_118 : vector<16xi1>, vector<16xi32>
      %select_n3A_121 = arith.select %gt3A_115, %get3A_112, %select_n3A_106 : vector<16xi1>, vector<16xf32>
      %select_n3A_122 = arith.select %gt3A_115, %broadcast_in_dim3A_114, %select_n3A_107 : vector<16xi1>, vector<16xi32>
      %get3A_123 = arith.constant 8 : i32
      %get3A_124 = arith.index_cast %get3A_123 : i32 to index
      %get3A_125 = arith.index_cast %mul3A_10 : i32 to index
      %get3A_126 = tpu.vector_load %arg5[%get3A_124, %get3A_125] {strides = array<i32>} : memref<16x512xf32, #tpu.memory_space<vmem>>, vector<1x16xf32>,
      %get3A_127 = vector.shape_cast %get3A_126 : vector<1x16xf32> to vector<16xf32>
      %broadcast_in_dim3A_128 = arith.constant 8 : i32
      %broadcast_in_dim3A_129 = vector.broadcast %broadcast_in_dim3A_128 : i32 to vector<16xi32>
      %gt3A_130 = arith.cmpf ogt, %get3A_127, %select_n3A_121 : vector<16xf32>
      %gt3A_131 = arith.cmpf ogt, %get3A_127, %select_n3A_119 : vector<16xf32>
      %select_n3A_132 = arith.select %gt3A_131, %get3A_127, %select_n3A_119 : vector<16xi1>, vector<16xf32>
      %select_n3A_133 = arith.select %gt3A_131, %broadcast_in_dim3A_129, %select_n3A_120 : vector<16xi1>, vector<16xi32>
      %select_n3A_134 = arith.select %gt3A_130, %select_n3A_121, %select_n3A_132 : vector<16xi1>, vector<16xf32>
      %select_n3A_135 = arith.select %gt3A_130, %select_n3A_122, %select_n3A_133 : vector<16xi1>, vector<16xi32>
      %select_n3A_136 = arith.select %gt3A_130, %get3A_127, %select_n3A_121 : vector<16xi1>, vector<16xf32>
      %select_n3A_137 = arith.select %gt3A_130, %broadcast_in_dim3A_129, %select_n3A_122 : vector<16xi1>, vector<16xi32>
      %get3A_138 = arith.constant 9 : i32
      %get3A_139 = arith.index_cast %get3A_138 : i32 to index
      %get3A_140 = arith.index_cast %mul3A_10 : i32 to index
      %get3A_141 = tpu.vector_load %arg5[%get3A_139, %get3A_140] {strides = array<i32>} : memref<16x512xf32, #tpu.memory_space<vmem>>, vector<1x16xf32>,
      %get3A_142 = vector.shape_cast %get3A_141 : vector<1x16xf32> to vector<16xf32>
      %broadcast_in_dim3A_143 = arith.constant 9 : i32
      %broadcast_in_dim3A_144 = vector.broadcast %broadcast_in_dim3A_143 : i32 to vector<16xi32>
      %gt3A_145 = arith.cmpf ogt, %get3A_142, %select_n3A_136 : vector<16xf32>
      %gt3A_146 = arith.cmpf ogt, %get3A_142, %select_n3A_134 : vector<16xf32>
      %select_n3A_147 = arith.select %gt3A_146, %get3A_142, %select_n3A_134 : vector<16xi1>, vector<16xf32>
      %select_n3A_148 = arith.select %gt3A_146, %broadcast_in_dim3A_144, %select_n3A_135 : vector<16xi1>, vector<16xi32>
      %select_n3A_149 = arith.select %gt3A_145, %select_n3A_136, %select_n3A_147 : vector<16xi1>, vector<16xf32>
      %select_n3A_150 = arith.select %gt3A_145, %select_n3A_137, %select_n3A_148 : vector<16xi1>, vector<16xi32>
      %select_n3A_151 = arith.select %gt3A_145, %get3A_142, %select_n3A_136 : vector<16xi1>, vector<16xf32>
      %select_n3A_152 = arith.select %gt3A_145, %broadcast_in_dim3A_144, %select_n3A_137 : vector<16xi1>, vector<16xi32>
      %get3A_153 = arith.constant 10 : i32
      %get3A_154 = arith.index_cast %get3A_153 : i32 to index
      %get3A_155 = arith.index_cast %mul3A_10 : i32 to index
      %get3A_156 = tpu.vector_load %arg5[%get3A_154, %get3A_155] {strides = array<i32>} : memref<16x512xf32, #tpu.memory_space<vmem>>, vector<1x16xf32>,
      %get3A_157 = vector.shape_cast %get3A_156 : vector<1x16xf32> to vector<16xf32>
      %broadcast_in_dim3A_158 = arith.constant 10 : i32
      %broadcast_in_dim3A_159 = vector.broadcast %broadcast_in_dim3A_158 : i32 to vector<16xi32>
      %gt3A_160 = arith.cmpf ogt, %get3A_157, %select_n3A_151 : vector<16xf32>
      %gt3A_161 = arith.cmpf ogt, %get3A_157, %select_n3A_149 : vector<16xf32>
      %select_n3A_162 = arith.select %gt3A_161, %get3A_157, %select_n3A_149 : vector<16xi1>, vector<16xf32>
      %select_n3A_163 = arith.select %gt3A_161, %broadcast_in_dim3A_159, %select_n3A_150 : vector<16xi1>, vector<16xi32>
      %select_n3A_164 = arith.select %gt3A_160, %select_n3A_151, %select_n3A_162 : vector<16xi1>, vector<16xf32>
      %select_n3A_165 = arith.select %gt3A_160, %select_n3A_152, %select_n3A_163 : vector<16xi1>, vector<16xi32>
      %select_n3A_166 = arith.select %gt3A_160, %get3A_157, %select_n3A_151 : vector<16xi1>, vector<16xf32>
      %select_n3A_167 = arith.select %gt3A_160, %broadcast_in_dim3A_159, %select_n3A_152 : vector<16xi1>, vector<16xi32>
      %get3A_168 = arith.constant 11 : i32
      %get3A_169 = arith.index_cast %get3A_168 : i32 to index
      %get3A_170 = arith.index_cast %mul3A_10 : i32 to index
      %get3A_171 = tpu.vector_load %arg5[%get3A_169, %get3A_170] {strides = array<i32>} : memref<16x512xf32, #tpu.memory_space<vmem>>, vector<1x16xf32>,
      %get3A_172 = vector.shape_cast %get3A_171 : vector<1x16xf32> to vector<16xf32>
      %broadcast_in_dim3A_173 = arith.constant 11 : i32
      %broadcast_in_dim3A_174 = vector.broadcast %broadcast_in_dim3A_173 : i32 to vector<16xi32>
      %gt3A_175 = arith.cmpf ogt, %get3A_172, %select_n3A_166 : vector<16xf32>
      %gt3A_176 = arith.cmpf ogt, %get3A_172, %select_n3A_164 : vector<16xf32>
      %select_n3A_177 = arith.select %gt3A_176, %get3A_172, %select_n3A_164 : vector<16xi1>, vector<16xf32>
      %select_n3A_178 = arith.select %gt3A_176, %broadcast_in_dim3A_174, %select_n3A_165 : vector<16xi1>, vector<16xi32>
      %select_n3A_179 = arith.select %gt3A_175, %select_n3A_166, %select_n3A_177 : vector<16xi1>, vector<16xf32>
      %select_n3A_180 = arith.select %gt3A_175, %select_n3A_167, %select_n3A_178 : vector<16xi1>, vector<16xi32>
      %select_n3A_181 = arith.select %gt3A_175, %get3A_172, %select_n3A_166 : vector<16xi1>, vector<16xf32>
      %select_n3A_182 = arith.select %gt3A_175, %broadcast_in_dim3A_174, %select_n3A_167 : vector<16xi1>, vector<16xi32>
      %get3A_183 = arith.constant 12 : i32
      %get3A_184 = arith.index_cast %get3A_183 : i32 to index
      %get3A_185 = arith.index_cast %mul3A_10 : i32 to index
      %get3A_186 = tpu.vector_load %arg5[%get3A_184, %get3A_185] {strides = array<i32>} : memref<16x512xf32, #tpu.memory_space<vmem>>, vector<1x16xf32>,
      %get3A_187 = vector.shape_cast %get3A_186 : vector<1x16xf32> to vector<16xf32>
      %broadcast_in_dim3A_188 = arith.constant 12 : i32
      %broadcast_in_dim3A_189 = vector.broadcast %broadcast_in_dim3A_188 : i32 to vector<16xi32>
      %gt3A_190 = arith.cmpf ogt, %get3A_187, %select_n3A_181 : vector<16xf32>
      %gt3A_191 = arith.cmpf ogt, %get3A_187, %select_n3A_179 : vector<16xf32>
      %select_n3A_192 = arith.select %gt3A_191, %get3A_187, %select_n3A_179 : vector<16xi1>, vector<16xf32>
      %select_n3A_193 = arith.select %gt3A_191, %broadcast_in_dim3A_189, %select_n3A_180 : vector<16xi1>, vector<16xi32>
      %select_n3A_194 = arith.select %gt3A_190, %select_n3A_181, %select_n3A_192 : vector<16xi1>, vector<16xf32>
      %select_n3A_195 = arith.select %gt3A_190, %select_n3A_182, %select_n3A_193 : vector<16xi1>, vector<16xi32>
      %select_n3A_196 = arith.select %gt3A_190, %get3A_187, %select_n3A_181 : vector<16xi1>, vector<16xf32>
      %select_n3A_197 = arith.select %gt3A_190, %broadcast_in_dim3A_189, %select_n3A_182 : vector<16xi1>, vector<16xi32>
      %get3A_198 = arith.constant 13 : i32
      %get3A_199 = arith.index_cast %get3A_198 : i32 to index
      %get3A_200 = arith.index_cast %mul3A_10 : i32 to index
      %get3A_201 = tpu.vector_load %arg5[%get3A_199, %get3A_200] {strides = array<i32>} : memref<16x512xf32, #tpu.memory_space<vmem>>, vector<1x16xf32>,
      %get3A_202 = vector.shape_cast %get3A_201 : vector<1x16xf32> to vector<16xf32>
      %broadcast_in_dim3A_203 = arith.constant 13 : i32
      %broadcast_in_dim3A_204 = vector.broadcast %broadcast_in_dim3A_203 : i32 to vector<16xi32>
      %gt3A_205 = arith.cmpf ogt, %get3A_202, %select_n3A_196 : vector<16xf32>
      %gt3A_206 = arith.cmpf ogt, %get3A_202, %select_n3A_194 : vector<16xf32>
      %select_n3A_207 = arith.select %gt3A_206, %get3A_202, %select_n3A_194 : vector<16xi1>, vector<16xf32>
      %select_n3A_208 = arith.select %gt3A_206, %broadcast_in_dim3A_204, %select_n3A_195 : vector<16xi1>, vector<16xi32>
      %select_n3A_209 = arith.select %gt3A_205, %select_n3A_196, %select_n3A_207 : vector<16xi1>, vector<16xf32>
      %select_n3A_210 = arith.select %gt3A_205, %select_n3A_197, %select_n3A_208 : vector<16xi1>, vector<16xi32>
      %select_n3A_211 = arith.select %gt3A_205, %get3A_202, %select_n3A_196 : vector<16xi1>, vector<16xf32>
      %select_n3A_212 = arith.select %gt3A_205, %broadcast_in_dim3A_204, %select_n3A_197 : vector<16xi1>, vector<16xi32>
      %get3A_213 = arith.constant 14 : i32
      %get3A_214 = arith.index_cast %get3A_213 : i32 to index
      %get3A_215 = arith.index_cast %mul3A_10 : i32 to index
      %get3A_216 = tpu.vector_load %arg5[%get3A_214, %get3A_215] {strides = array<i32>} : memref<16x512xf32, #tpu.memory_space<vmem>>, vector<1x16xf32>,
      %get3A_217 = vector.shape_cast %get3A_216 : vector<1x16xf32> to vector<16xf32>
      %broadcast_in_dim3A_218 = arith.constant 14 : i32
      %broadcast_in_dim3A_219 = vector.broadcast %broadcast_in_dim3A_218 : i32 to vector<16xi32>
      %gt3A_220 = arith.cmpf ogt, %get3A_217, %select_n3A_211 : vector<16xf32>
      %gt3A_221 = arith.cmpf ogt, %get3A_217, %select_n3A_209 : vector<16xf32>
      %select_n3A_222 = arith.select %gt3A_221, %get3A_217, %select_n3A_209 : vector<16xi1>, vector<16xf32>
      %select_n3A_223 = arith.select %gt3A_221, %broadcast_in_dim3A_219, %select_n3A_210 : vector<16xi1>, vector<16xi32>
      %select_n3A_224 = arith.select %gt3A_220, %select_n3A_211, %select_n3A_222 : vector<16xi1>, vector<16xf32>
      %select_n3A_225 = arith.select %gt3A_220, %select_n3A_212, %select_n3A_223 : vector<16xi1>, vector<16xi32>
      %select_n3A_226 = arith.select %gt3A_220, %get3A_217, %select_n3A_211 : vector<16xi1>, vector<16xf32>
      %select_n3A_227 = arith.select %gt3A_220, %broadcast_in_dim3A_219, %select_n3A_212 : vector<16xi1>, vector<16xi32>
      %get3A_228 = arith.constant 15 : i32
      %get3A_229 = arith.index_cast %get3A_228 : i32 to index
      %get3A_230 = arith.index_cast %mul3A_10 : i32 to index
      %get3A_231 = tpu.vector_load %arg5[%get3A_229, %get3A_230] {strides = array<i32>} : memref<16x512xf32, #tpu.memory_space<vmem>>, vector<1x16xf32>,
      %get3A_232 = vector.shape_cast %get3A_231 : vector<1x16xf32> to vector<16xf32>
      %broadcast_in_dim3A_233 = arith.constant 15 : i32
      %broadcast_in_dim3A_234 = vector.broadcast %broadcast_in_dim3A_233 : i32 to vector<16xi32>
      %gt3A_235 = arith.cmpf ogt, %get3A_232, %select_n3A_226 : vector<16xf32>
      %gt3A_236 = arith.cmpf ogt, %get3A_232, %select_n3A_224 : vector<16xf32>
      %select_n3A_237 = arith.select %gt3A_236, %get3A_232, %select_n3A_224 : vector<16xi1>, vector<16xf32>
      %select_n3A_238 = arith.select %gt3A_236, %broadcast_in_dim3A_234, %select_n3A_225 : vector<16xi1>, vector<16xi32>
      %select_n3A_239 = arith.select %gt3A_235, %select_n3A_226, %select_n3A_237 : vector<16xi1>, vector<16xf32>
      %select_n3A_240 = arith.select %gt3A_235, %select_n3A_227, %select_n3A_238 : vector<16xi1>, vector<16xi32>
      %select_n3A_241 = arith.select %gt3A_235, %get3A_232, %select_n3A_226 : vector<16xi1>, vector<16xf32>
      %select_n3A_242 = arith.select %gt3A_235, %broadcast_in_dim3A_234, %select_n3A_227 : vector<16xi1>, vector<16xi32>
      %swap3A = arith.constant 0 : i32
      %swap3A_243 = arith.index_cast %swap3A : i32 to index
      %swap3A_244 = arith.index_cast %mul3A_10 : i32 to index
      %swap3A_245 = tpu.vector_load %arg6[%swap3A_243, %swap3A_244] {strides = array<i32>} : memref<2x512xi32, #tpu.memory_space<vmem>>, vector<1x16xi32>,
      %swap3A_246 = vector.shape_cast %swap3A_245 : vector<1x16xi32> to vector<16xi32>
      %swap3A_247 = vector.shape_cast %select_n3A_242 : vector<16xi32> to vector<1x16xi32>
      tpu.vector_store %arg6[%swap3A_243, %swap3A_244], %swap3A_247 {strides = array<i32>} : memref<2x512xi32, #tpu.memory_space<vmem>>, vector<1x16xi32>,
      %swap3A_248 = arith.constant 1 : i32
      %swap3A_249 = arith.index_cast %swap3A_248 : i32 to index
      %swap3A_250 = arith.index_cast %mul3A_10 : i32 to index
      %swap3A_251 = tpu.vector_load %arg6[%swap3A_249, %swap3A_250] {strides = array<i32>} : memref<2x512xi32, #tpu.memory_space<vmem>>, vector<1x16xi32>,
      %swap3A_252 = vector.shape_cast %swap3A_251 : vector<1x16xi32> to vector<16xi32>
      %swap3A_253 = vector.shape_cast %select_n3A_240 : vector<16xi32> to vector<1x16xi32>
      tpu.vector_store %arg6[%swap3A_249, %swap3A_250], %swap3A_253 {strides = array<i32>} : memref<2x512xi32, #tpu.memory_space<vmem>>, vector<1x16xi32>,
      %broadcast_in_dim3A_254 = arith.constant 1.000000e+00 : f32
      %broadcast_in_dim3A_255 = vector.broadcast %broadcast_in_dim3A_254 : f32 to vector<16xf32>
      %broadcast_in_dim3A_256 = arith.constant 0.000000e+00 : f32
      %broadcast_in_dim3A_257 = vector.broadcast %broadcast_in_dim3A_256 : f32 to vector<16xf32>
      %gt3A_258 = arith.constant 2.000000e-01 : f32
      %gt3A_259 = vector.broadcast %gt3A_258 : f32 to vector<16xf32>
      %gt3A_260 = arith.cmpf ogt, %select_n3A_241, %gt3A_259 : vector<16xf32>
      %select_n3A_261 = arith.select %gt3A_260, %broadcast_in_dim3A_255, %broadcast_in_dim3A_257 : vector<16xi1>, vector<16xf32>
      %swap3A_262 = arith.constant 0 : i32
      %swap3A_263 = arith.index_cast %swap3A_262 : i32 to index
      %swap3A_264 = arith.index_cast %mul3A_10 : i32 to index
      %swap3A_265 = tpu.vector_load %arg7[%swap3A_263, %swap3A_264] {strides = array<i32>} : memref<2x512xf32, #tpu.memory_space<vmem>>, vector<1x16xf32>,
      %swap3A_266 = vector.shape_cast %swap3A_265 : vector<1x16xf32> to vector<16xf32>
      %swap3A_267 = vector.shape_cast %select_n3A_261 : vector<16xf32> to vector<1x16xf32>
      tpu.vector_store %arg7[%swap3A_263, %swap3A_264], %swap3A_267 {strides = array<i32>} : memref<2x512xf32, #tpu.memory_space<vmem>>, vector<1x16xf32>,
      %gt3A_268 = arith.constant 2.000000e-01 : f32
      %gt3A_269 = vector.broadcast %gt3A_268 : f32 to vector<16xf32>
      %gt3A_270 = arith.cmpf ogt, %select_n3A_239, %gt3A_269 : vector<16xf32>
      %select_n3A_271 = arith.select %gt3A_270, %broadcast_in_dim3A_255, %broadcast_in_dim3A_257 : vector<16xi1>, vector<16xf32>
      %swap3A_272 = arith.constant 1 : i32
      %swap3A_273 = arith.index_cast %swap3A_272 : i32 to index
      %swap3A_274 = arith.index_cast %mul3A_10 : i32 to index
      %swap3A_275 = tpu.vector_load %arg7[%swap3A_273, %swap3A_274] {strides = array<i32>} : memref<2x512xf32, #tpu.memory_space<vmem>>, vector<1x16xf32>,
      %swap3A_276 = vector.shape_cast %swap3A_275 : vector<1x16xf32> to vector<16xf32>
      %swap3A_277 = vector.shape_cast %select_n3A_271 : vector<16xf32> to vector<1x16xf32>
      tpu.vector_store %arg7[%swap3A_273, %swap3A_274], %swap3A_277 {strides = array<i32>} : memref<2x512xf32, #tpu.memory_space<vmem>>, vector<1x16xf32>,
    }
    %scan3A_7 = arith.constant 32 : i32
    "tpu.region"() ({
      %run_scoped3A = tpu.sem_alloc : memref<!tpu.dma_semaphore, #tpu.memory_space<semaphore_mem>>
      %dma_start3A = arith.constant 0 : i32
      %dma_start3A_8 = tpu.memref_slice %arg3[%dma_start3A, %mul3A_2] : memref<2x16384xi32, #tpu.memory_space<hbm>> -> memref<2x512xi32, #tpu.memory_space<hbm>>
      %dma_start3A_9 = arith.constant 0 : i32
      %dma_start3A_10 = tpu.memref_slice %arg3[%dma_start3A_9, %mul3A_2] : memref<2x16384xi32, #tpu.memory_space<hbm>> -> memref<2x512xi32, #tpu.memory_space<hbm>>
      tpu.enqueue_dma source(%arg6 : memref<2x512xi32, #tpu.memory_space<vmem>>) target(%dma_start3A_10 : memref<2x512xi32, #tpu.memory_space<hbm>>) target_semaphore(%run_scoped3A : memref<!tpu.dma_semaphore, #tpu.memory_space<semaphore_mem>>)
      %dma_wait3A = arith.constant 0 : i32
      %dma_wait3A_11 = tpu.memref_slice %arg3[%dma_wait3A, %mul3A_2] : memref<2x16384xi32, #tpu.memory_space<hbm>> -> memref<2x512xi32, #tpu.memory_space<hbm>>
      %dma_wait3A_12 = arith.constant 0 : i32
      %dma_wait3A_13 = tpu.memref_slice %arg3[%dma_wait3A_12, %mul3A_2] : memref<2x16384xi32, #tpu.memory_space<hbm>> -> memref<2x512xi32, #tpu.memory_space<hbm>>
      tpu.wait_dma2 semaphore(%run_scoped3A : memref<!tpu.dma_semaphore, #tpu.memory_space<semaphore_mem>>) src(%arg6 : memref<2x512xi32, #tpu.memory_space<vmem>>) dst(%dma_wait3A_13 : memref<2x512xi32, #tpu.memory_space<hbm>>)
      tpu.yield
    }) : () -> ()
    "tpu.region"() ({
      %run_scoped3A = tpu.sem_alloc : memref<!tpu.dma_semaphore, #tpu.memory_space<semaphore_mem>>
      %dma_start3A = arith.constant 0 : i32
      %dma_start3A_8 = tpu.memref_slice %arg4[%dma_start3A, %mul3A_2] : memref<2x16384xf32, #tpu.memory_space<hbm>> -> memref<2x512xf32, #tpu.memory_space<hbm>>
      %dma_start3A_9 = arith.constant 0 : i32
      %dma_start3A_10 = tpu.memref_slice %arg4[%dma_start3A_9, %mul3A_2] : memref<2x16384xf32, #tpu.memory_space<hbm>> -> memref<2x512xf32, #tpu.memory_space<hbm>>
      tpu.enqueue_dma source(%arg7 : memref<2x512xf32, #tpu.memory_space<vmem>>) target(%dma_start3A_10 : memref<2x512xf32, #tpu.memory_space<hbm>>) target_semaphore(%run_scoped3A : memref<!tpu.dma_semaphore, #tpu.memory_space<semaphore_mem>>)
      %dma_wait3A = arith.constant 0 : i32
      %dma_wait3A_11 = tpu.memref_slice %arg4[%dma_wait3A, %mul3A_2] : memref<2x16384xf32, #tpu.memory_space<hbm>> -> memref<2x512xf32, #tpu.memory_space<hbm>>
      %dma_wait3A_12 = arith.constant 0 : i32
      %dma_wait3A_13 = tpu.memref_slice %arg4[%dma_wait3A_12, %mul3A_2] : memref<2x16384xf32, #tpu.memory_space<hbm>> -> memref<2x512xf32, #tpu.memory_space<hbm>>
      tpu.wait_dma2 semaphore(%run_scoped3A : memref<!tpu.dma_semaphore, #tpu.memory_space<semaphore_mem>>) src(%arg7 : memref<2x512xf32, #tpu.memory_space<vmem>>) dst(%dma_wait3A_13 : memref<2x512xf32, #tpu.memory_space<hbm>>)
      tpu.yield
    }) : () -> ()
    return
  }
}

module attributes {stable_mosaic.version = 14 : i64} {
  func.func @_logits_block(%arg0: i32, %arg1: memref<1024x2048xf32, #tpu.memory_space<vmem>>, %arg2: memref<16x2048xf32, #tpu.memory_space<vmem>>, %arg3: memref<16x1xf32, #tpu.memory_space<vmem>>, %arg4: memref<16x1024xf32, #tpu.memory_space<vmem>>) attributes {dimension_semantics = [#tpu.dimension_semantics<parallel>], iteration_bounds = array<i64: 16>, scalar_prefetch = 0 : i64, scratch_operands = 0 : i64, tpu.core_type = #tpu.core_type<tc>, window_params = [{transform_indices = @transform_0, window_bounds = array<i64: 1024, 2048>}, {pipeline_mode = #tpu.pipeline_mode<synchronous>, transform_indices = @transform_1, window_bounds = array<i64: 16, 2048>}, {pipeline_mode = #tpu.pipeline_mode<synchronous>, transform_indices = @transform_2, window_bounds = array<i64: 16, 1>}, {transform_indices = @transform_3, window_bounds = array<i64: 16, 1024>}]} {
    %get3A = arith.constant 0 : index
    %get3A_0 = arith.constant 0 : index
    %get3A_1 = vector.load %arg2[%get3A, %get3A_0] : memref<16x2048xf32, #tpu.memory_space<vmem>>, vector<16x2048xf32>
    %get3A_2 = arith.constant 0 : index
    %get3A_3 = arith.constant 0 : index
    %get3A_4 = vector.load %arg1[%get3A_2, %get3A_3] : memref<1024x2048xf32, #tpu.memory_space<vmem>>, vector<1024x2048xf32>
    %dot_general3A = arith.constant dense<0.000000e+00> : vector<16x1024xf32>
    %dot_general3A_5 = tpu.matmul %get3A_1, %get3A_4, %dot_general3A {dimension_numbers = #tpu.dot_dimension_numbers<[1], [1], [0], [0], [0, 0, 1, 0], [], []>, transpose_lhs_hint = false} : vector<16x2048xf32>, vector<1024x2048xf32>, vector<16x1024xf32> -> vector<16x1024xf32>
    %get3A_6 = arith.constant 0 : index
    %get3A_7 = arith.constant 0 : index
    %get3A_8 = vector.load %arg3[%get3A_6, %get3A_7] : memref<16x1xf32, #tpu.memory_space<vmem>>, vector<16x1xf32>
    %add3A = vector.broadcast %get3A_8 : vector<16x1xf32> to vector<16x1024xf32>
    %add3A_9 = arith.addf %dot_general3A_5, %add3A : vector<16x1024xf32>
    %swap3A = arith.constant 0 : index
    %swap3A_10 = arith.constant 0 : index
    %swap3A_11 = vector.load %arg4[%swap3A, %swap3A_10] : memref<16x1024xf32, #tpu.memory_space<vmem>>, vector<16x1024xf32>
    tpu.vector_store %arg4[%swap3A, %swap3A_10], %add3A_9 {strides = array<i32>} : memref<16x1024xf32, #tpu.memory_space<vmem>>, vector<16x1024xf32>,
    return
  }
  func.func @transform_0(%arg0: i32) -> (i32, i32) {
    %c0_i32 = arith.constant 0 : i32
    %c0_i32_0 = arith.constant 0 : i32
    return %arg0, %c0_i32 : i32, i32
  }
  func.func @transform_1(%arg0: i32) -> (i32, i32) {
    %c0_i32 = arith.constant 0 : i32
    %c0_i32_0 = arith.constant 0 : i32
    %c0_i32_1 = arith.constant 0 : i32
    return %c0_i32, %c0_i32_0 : i32, i32
  }
  func.func @transform_2(%arg0: i32) -> (i32, i32) {
    %c0_i32 = arith.constant 0 : i32
    %c0_i32_0 = arith.constant 0 : i32
    %c0_i32_1 = arith.constant 0 : i32
    return %c0_i32, %c0_i32_0 : i32, i32
  }
  func.func @transform_3(%arg0: i32) -> (i32, i32) {
    %c0_i32 = arith.constant 0 : i32
    %c0_i32_0 = arith.constant 0 : i32
    return %c0_i32, %arg0 : i32, i32
  }
}

</mosaic_0001>

<sc_bundles>
// kernel: kernel.4.cloned.1.call-start
scs
__scs_entry_jumppad:
0x0: {  	(pc) =	sbr.rel $0x88, $3  }
0x1: {  	(tag) =	ssettag $0x0;
	lr =	simm.s32 $0x1  }
0x2: {  	[smem:$0x3F9E] =	sst lr;
	_ =	strace $0xD0000000  }
0x3: {  	_ = 	snop  }
0x4: {  	_ = 	snop  }
0x5: {  	_ = 	snop  }
0x6: {  	_ = 	snop  }
0x7: {  	_ = 	snop  }
__scs_overlays_trampoline_lowered:
0x8: {  	[smem:$0x3FAD] =	sst s0  }
0x9: {  	[smem:$0x3FAE] =	sst s1  }
0xa: {  	[smem:$0x3FAF] =	sst s2  }
0xb: {  	[smem:$0x3FB0] =	sst s3  }
0xc: {  	[smem:$0x3FB1] =	sst s4  }
0xd: {  	[smem:$0x3FB2] =	sst s5  }
0xe: {  	[smem:$0x3FB3] =	sst s6  }
0xf: {  	[smem:$0x3FB4] =	sst s7  }
0x10: {  	[smem:$0x3FB5] =	sst s8  }
0x11: {  	[smem:$0x3FB6] =	sst s9;
	s0 =	simm.s32 @!p0 $0x0  }
0x12: {  	s1 =	sld [smem:$0x3F9C];
	s0 =	simm.s32 @p0 $0x1  }
0x13: {  	[smem:$0x3FB7] =	sst s0;
	s0 =	simm.s32 @!p1 $0x0  }
0x14: {  	s2 =	sld [smem:$0x3F9B];
	s0 =	simm.s32 @p1 $0x1  }
0x15: {  	[smem:$0x3FB8] =	sst s0;
	s0 =	simm.s32 @!p2 $0x0  }
0x16: {  	s3 =	sld [smem:$0x3FDB];
	s0 =	simm.s32 @p2 $0x1  }
0x17: {  	s4 =	simm.s32 $0x1BF5;
	[smem:$0x3FBA] =	sst s0  }
0x18: {  	s0 =	sld [smem:$0x3F9D];
	_ =	swait.ge [sflag:s4], $0x0  }
0x19: {  	s7 =	sld [smem:$0x3F9E]  }
0x1a: {  	s8 =	sadd.s32 $0xFFFFE003, lr  }
0x1b: {  	s9 =	sadd.s32 $0xFFFFFEF7, lr;
	s5 =	simm.s32 $0xFFFFFFFF;
	p2 =	slt.u32 s8, $0xFFFFF086  }
0x1c: {  	p1 =	slt.u32 s9, $0xF7A;
	s5 =	simm.s32 @!p2 $0x0  }
0x1d: {  	s5 =	simm.s32 @p1 $0x1;
	p0 =	seq.s32 s7, s2  }
0x1e: {  	s7 =	smul.u32 @!p0 $0xF7A, s2;
	p2 =	seq.s32 @!p0 s5, $0x0  }
0x1f: {  	s9 =	smul.u32 $0xF7A, s1;
	s8 =	simm.s32 @!p0 $0x1BF5;
	p2 =	por !p2, p0  }
0x20: {  	[sflag:s8] =	ssyncset.s32 @!p0 $0xFFFFF086;
	s6 =	sadd.s32 @!p0 s3, s7;
	s7 =	simm.s32 @!p0 $0x108  }
0x21: {  	s3 =	sadd.s32 s3, s9;
	s6 =	sadd.s32 @!p0 $0x88, s6;
	s7 =	simm.s32 @p2 $0x1082  }
0x22: {  	[simem:s7], [sflag:s8] =	dma.local @!p0 [hbm:s6], $0xF7A  }
0x23: {  	s9 =	sor.u32 $0xD0000000, s2;
	s6 =	simm.s32 $0x108;
	_ =	swait.ge @!p0 [sflag:s8], $0x0  }
0x24: {  	s3 =	sadd.s32 $0x88, s3;
	s6 =	simm.s32 @!p1 $0x1082;
	[sflag:s4] =	ssyncset.s32 $0xFFFFF086  }
0x25: {  	[simem:s6], [sflag:s4] =	dma.local [hbm:s3], $0xF7A  }
0x26: {  	[smem:$0x3F9E] =	sst s1;
	(tag) =	ssettag s2;
	_ =	strace s9  }
0x27: {  	s1 =	sld [smem:$0x3FAE]  }
0x28: {  	s2 =	sld [smem:$0x3FAF]  }
0x29: {  	s4 =	sld [smem:$0x3FB1]  }
0x2a: {  	p0 =	seq.s32 s5, $0x0;
	s5 =	sld [smem:$0x3FB2]  }
0x2b: {  	s6 =	sld [smem:$0x3FB3]  }
0x2c: {  	s7 =	sld [smem:$0x3FB4]  }
0x2d: {  	s3 =	simm.s32 $0x108;
	s8 =	sld [smem:$0x3FB5]  }
0x2e: {  	s3 =	simm.s32 @!p0 $0x1082;
	s9 =	sld [smem:$0x3FB6]  }
0x2f: {  	lr =	sadd.s32 s0, s3;
	s0 =	sld [smem:$0x3FAD]  }
0x30: {  	s3 =	sld [smem:$0x3FB0]  }
0x31: {  	[smem:$0x3FB9] =	sst s10  }
0x32: {  	s10 =	sld [smem:$0x3FB7];
	_ =	sdelay $0x3  }
0x33: {  	p0 =	seq.s32 s10, $0x1;
	s10 =	sld [smem:$0x3FB9];
	_ =	sdelay $0x3  }
0x34: {  	[smem:$0x3FB9] =	sst s10  }
0x35: {  	s10 =	sld [smem:$0x3FB8];
	_ =	sdelay $0x3  }
0x36: {  	p1 =	seq.s32 s10, $0x1;
	s10 =	sld [smem:$0x3FB9];
	_ =	sdelay $0x3  }
0x37: {  	[smem:$0x3FB9] =	sst s10  }
0x38: {  	s10 =	sld [smem:$0x3FBA]  }
0x39: {  	_ = 	snop;
	(pc) =	sbr.ind lr, $3  }
0x3a: {  	_ = 	snop  }
0x3b: {  	_ = 	snop  }
0x3c: {  	p2 =	seq.s32 s10, $0x1;
	s10 =	sld [smem:$0x3FB9]  }
0x3d: {  	_ =	shalt  }
0x3e: {  	_ =	shalt  }
0x3f: {  	_ =	shalt  }
0x40: {  	_ =	shalt  }
0x41: {  	_ =	shalt  }
0x42: {  	_ =	shalt  }
0x43: {  	_ =	shalt  }
0x44: {  	_ =	shalt  }
0x45: {  	_ =	shalt  }
0x46: {  	_ =	shalt  }
0x47: {  	_ =	shalt  }
0x48: {  	_ =	shalt  }
0x49: {  	_ =	shalt  }
0x4a: {  	_ =	shalt  }
0x4b: {  	_ =	shalt  }
0x4c: {  	_ =	shalt  }
0x4d: {  	_ =	shalt  }
0x4e: {  	_ =	shalt  }
0x4f: {  	_ =	shalt  }
0x50: {  	_ =	shalt  }
0x51: {  	_ =	shalt  }
0x52: {  	_ =	shalt  }
0x53: {  	_ =	shalt  }
0x54: {  	_ =	shalt  }
0x55: {  	_ =	shalt  }
0x56: {  	_ =	shalt  }
0x57: {  	_ =	shalt  }
0x58: {  	_ =	shalt  }
0x59: {  	_ =	shalt  }
0x5a: {  	_ =	shalt  }
0x5b: {  	_ =	shalt  }
0x5c: {  	_ =	shalt  }
0x5d: {  	_ =	shalt  }
0x5e: {  	_ =	shalt  }
0x5f: {  	_ =	shalt  }
0x60: {  	_ =	shalt  }
0x61: {  	_ =	shalt  }
0x62: {  	_ =	shalt  }
0x63: {  	_ =	shalt  }
0x64: {  	_ =	shalt  }
0x65: {  	_ =	shalt  }
0x66: {  	_ =	shalt  }
0x67: {  	_ =	shalt  }
0x68: {  	_ =	shalt  }
0x69: {  	_ =	shalt  }
0x6a: {  	_ =	shalt  }
0x6b: {  	_ =	shalt  }
0x6c: {  	_ =	shalt  }
0x6d: {  	_ =	shalt  }
0x6e: {  	_ =	shalt  }
0x6f: {  	_ =	shalt  }
0x70: {  	_ =	shalt  }
0x71: {  	_ =	shalt  }
0x72: {  	_ =	shalt  }
0x73: {  	_ =	shalt  }
0x74: {  	_ =	shalt  }
0x75: {  	_ =	shalt  }
0x76: {  	_ =	shalt  }
0x77: {  	_ =	shalt  }
0x78: {  	_ =	shalt  }
0x79: {  	_ =	shalt  }
0x7a: {  	_ =	shalt  }
0x7b: {  	_ =	shalt  }
0x7c: {  	_ =	shalt  }
0x7d: {  	_ =	shalt  }
0x7e: {  	_ =	shalt  }
0x7f: {  	_ =	shalt  }
0x80: {  	_ =	shalt  }
0x81: {  	_ =	shalt  }
0x82: {  	_ =	shalt  }
0x83: {  	_ =	shalt  }
0x84: {  	_ =	shalt  }
0x85: {  	_ =	shalt  }
0x86: {  	_ =	shalt  }
0x87: {  	_ =	shalt  }
.Lfunc_end0:
.L_simem_size_0:
called_computation_lowered:
.L_overlay_start_0:
0x88: {  	s2 =	sld [smem:$0x3FD9]  }
0x89: {  	s3 =	sld [smem:$0x3FFE];
	_ =	sdelay $0x1  }
0x8a: {  	s1 =	srdreg.scid  }
0x8b: {  	s0 =	sand.u32 $0x1, s1  }
0x8c: {  	s14 =	sshll.u32 s0, $0xA;
	s2 =	sadd.s32 s3, s2  }
0x8d: {  	s2 =	sadd.s32 s2, s14  }
0x8e: {  	[smem:$0x3FC5] =	sst s2  }
0x8f: {  	_ = 	snop  }
0x90: {  	s2 =	sld [smem:$0x3FD0];
	_ =	sdelay $0x2  }
0x91: {  	s15 =	simm.s32 $0xA;
	s4 =	simm.s32 $0x10  }
0x92: {  	[smem:s4], [sflag:s15] =	dma.local [hbm:s2], $0x1  }
0x93: {  	_ =	swait.eq [sflag:s15], $0x1  }
0x94: {  	[sflag:s15] =	ssyncset.done $0x0  }
0x95: {  	s16 =	sld [smem:$0x10];
	[sflag:s15] =	ssyncadd.s32 $0xFFFFFFFF  }
0x96: {  	s17 =	sld [smem:$0x11];
	(tm) =	ssettm $0x1  }
0x97: {  	s18 =	sld [smem:$0x3FFB];
	_ =	sdelay $0x3  }
0x98: {  	_ =	strace s18  }
0x99: {  	s4 =	sld [smem:$0x3FFC];
	_ =	sdelay $0x3  }
0x9a: {  	_ =	strace s4  }
0x9b: {  	s4 =	sld [smem:$0x3FFD];
	_ =	sdelay $0x3  }
0x9c: {  	_ =	strace s4  }
0x9d: {  	_ =	strace $0x8FFFFFFF  }
0x9e: {  	s19 =	sld [smem:$0x3FDB];
	_ =	sdelay $0x1  }
0x9f: {  	s5 =	simm.s32 $_scs_section_size  }
0xa0: {  	s6 =	simm.s32 $_size__tile_overlayer_lowered;
	s7 =	simm.s32 $_tile_overlayer_lowered  }
0xa1: {  	s22 =	simm.s32 $0x1BFF;
	s21 =	sshll.u32 s7, $0x1;
	s4 =	sadd.s32 s5, s19  }
0xa2: {  	s8 =	simm.s32 $0x0;
	s20 =	sshll.u32 s6, $0x1;
	s6 =	sadd.s32 s21, s4  }
0xa3: {  	[timem:s8], [sflag:s22] =	dma.local [hbm:s6], s20  }
0xa4: {  	_ =	swait.ge [sflag:s22], s20  }
0xa5: {  	s5 =	ssub.s32 $0x0, s20;
	[sflag:s22] =	ssyncset.done $0x0  }
0xa6: {  	[sflag:s22] =	ssyncadd.s32 s5;
	_ =	sdelay $0x1  }
0xa7: {  	s23 =	simm.s32 $0x1B8B  }
0xa8: {  	_ =	swait.ge [sflag:s23], $0x1  }
0xa9: {  	[sflag:s23] =	ssyncset.done $0x0  }
0xaa: {  	s25 =	simm.s32 $0x1B8E;
	s24 =	sld [smem:$0x3FFE];
	[sflag:s23] =	ssyncadd.s32 $0xFFFFFFFF  }
0xab: {  	s26 =	simm.s32 $execute0_lowered;
	[smem:$0x3FD2] =	sst s25  }
0xac: {  	s6 =	sshll.u32 s26, $0x1;
	_ =	strace $0x80000046;
	[dreg:$0x1] =	wrdreg $0xFFFFFFFF  }
0xad: {  	s28 =	simm.s32 $_size_execute0_lowered;
	s4 =	sadd.s32 s4, s6;
	[dreg:$0x0] =	wrdreg $0x0  }
0xae: {  	s6 =	sshll.u32 s28, $0x1;
	[dreg:$0x2] =	wrdreg s4  }
0xaf: {  	[dreg:$0x3] =	wrdreg s6  }
0xb0: {  	[dreg:$0x4] =	wrdreg $0xC0  }
0xb1: {  	_ =	task [dreg:s8], $0x5FFFF  }
0xb2: {  	[dreg:$0x1] =	wrdreg $0xFFFFFFFF  }
0xb3: {  	[dreg:$0x0] =	wrdreg $0x60  }
0xb4: {  	[dreg:$0x2] =	wrdreg s24  }
0xb5: {  	[dreg:$0x3] =	wrdreg s16  }
0xb6: {  	[dreg:$0x4] =	wrdreg s17  }
0xb7: {  	[dreg:$0x5] =	wrdreg $0x9  }
0xb8: {  	_ =	task.clear_ibuf [dreg:s8], $0x6FFFF;
	_ =	strace $0x90000046  }
0xb9: {  	s29 =	simm.s32 $0x9;
	_ =	strace $0x80000048  }
0xba: {  	_ =	swait.ge [sflag:s29], $0x1  }
0xbb: {  	[sflag:s29] =	ssyncadd.s32 $0xFFFFFFFF  }
0xbc: {  	_ =	strace $0x90000048  }
0xbd: {  	_ =	sfence  }
0xbe: {  	s30 =	sld [smem:$0x0];
	_ =	sdelay $0x2  }
0xbf: {  	s31 =	sshll.u32 s1, $0xD;
	s1 =	sshrl.u32 s1, $0x2  }
0xc0: {  	s3 =	sand.u32 $0x4000, s31;
	s1 =	sadd.s32 s1, s30  }
0xc1: {  	s0 =	sor.u32 s3, s0;
	s1 =	sshll.u32 s1, $0x11  }
0xc2: {  	s0 =	sor.u32 s1, s0  }
0xc3: {  	s0 =	sadd.s32 $0x8F2B, s0  }
0xc4: {  	[sflag:s0] =	ssyncadd.remote.s32 $0x1  }
0xc5: {  	_ =	sfence.sel $0xFFFF  }
0xc6: {  	[dreg:$0x0] =	wrdreg $0xFFFFFFFF;
	(pc) =	sbr.abs _section_cstart, $3  }
0xc7: {  	[dreg:$0x1] =	wrdreg $0xFFFFFFFF  }
0xc8: {  	_ =	task.clear_ibuf [dreg:s8], $0x2FFFF;
	_ =	strace $0x9FFFFFFF  }
0xc9: {  	(tm) =	ssettm $0x7FFFFFFF  }
tec
execute0_lowered:
.L_overlay_start_1:
0x0: {  	(tag) =	ssettag $0x1  }
0x1: {  	s3 =	rddreg [dreg:$0x0]  }
0x2: {  	s4 =	rddreg [dreg:$0x1]  }
0x3: {  	s5 =	rddreg [dreg:$0x2];
	s2 =	srdreg.scid  }
0x4: {  	s0 =	rddreg [dreg:$0x3];
	s1 =	stileid.u32;
	s9 =	simm.s32 $0x1  }
0x5: {  	s10 =	simm.s32 $0x2000;
	s11 =	simm.s32 $0x2400;
	s12 =	simm.s32 $0x0  }
0x6: {  	s6 =	sand.u32 $0x1, s2;
	s2 =	simm.s32 $0x0;
	s7 =	sshll.u32 s1, $0xA  }
0x7: {  	s8 =	sshll.u32 s6, $0x9;
	[smem:$0x7FF] =	sst s2;
	s6 =	ssub.s32 $0x2, s6  }
0x8: {  	s7 =	sor.u32 s8, s7;
	_ =	strace $0x80000047;
	s31 =	sshrl.u32 s6, $0x1  }
0x9: {  	s8 =	simm.s32 $0x20000;
	s3 =	sadd.s32 s7, s3;
	s7 =	sshrl.u32 s7, $0x2  }
0xa: {  	s6 =	ssub.s32 s6, s31;
	s3 =	sadd.s32 $0xC00, s3;
	s4 =	sadd.s32 s4, s7  }
0xb: {  	v0 =	vimm.s32 $0x0;
	v1 =	vimm.f32 $0.0e+00;
	s5 =	sadd.s32 s5, s7;
	s6 =	smax.u32 s6, $0x1;
	s7 =	simm.s32 $0x1000  }
.LBB2_1:
0xc: {  	[tilespmem:s2], [sflag:$0x1] =	stream.strided.gather [hbm4b:s3+s7], $0x2000, s8, s7, $0x38;
	[tilespmem:$0x2800] =	vst v63  }
0xd: {  	s13 =	simm.s32 $0x0;
	_ =	swait.ge [sflag:s9], $0x2000  }
0xe: {  	s14 =	sand.u32 $0x70, s2;
	s13 =	sand.u32 $0x3FFFFC00, s13;
	[sflag:s9] =	ssyncset.done $0x0  }
0xf: {  	s16 =	sor.u32 s14, s13;
	[sflag:s9] =	ssyncadd.s32 $0xFFFFE000  }
0x10: {  	v2 =	vld [tilespmem:s16+$0x80]  }
0x11: {  	v3 =	vld [tilespmem:s16+$0x0];
	_ =	sdelay $0x2  }
0x12: {  	v4 =	vld [tilespmem:s16+$0x100]  }
0x13: {  	vm0 =	vlt.f32 v2, $-Inf;
	vm1 =	vgt.f32 v2, $-Inf  }
0x14: {  	vm2 =	vgt.f32 v2, v3;
	vm0 =	vmor vm1, vm0  }
0x15: {  	v6 =	vld [tilespmem:s16+$0x180];
	vm1 =	vmneg vm2;
	v5 =	vnsel vm0, $0xFF800000, v2  }
0x16: {  	v5 =	vsel vm1, v5, v3  }
0x17: {  	v2 =	vsel vm1, v3, v2;
	vm3 =	vgt.f32 v4, v5  }
0x18: {  	vm0 =	vmand vm1, vm0;
	vm1 =	vgt.f32 v4, v2;
	v3 =	vsel vm3, v4, v5;
	v5 =	vld [tilespmem:s16+$0x200]  }
0x19: {  	v8 =	vsel vm2, $0x1, v0;
	v3 =	vsel vm1, v2, v3  }
0x1a: {  	v7 =	vsel vm0, $0x1, v0;
	v2 =	vsel vm1, v4, v2;
	vm0 =	vgt.f32 v6, v3  }
0x1b: {  	v4 =	vsel vm3, $0x2, v7;
	v7 =	vld [tilespmem:s16+$0x280];
	vm2 =	vgt.f32 v6, v2;
	v3 =	vsel vm0, v6, v3  }
0x1c: {  	v4 =	vsel vm1, v8, v4;
	v3 =	vsel vm2, v2, v3  }
0x1d: {  	v8 =	vsel vm1, $0x2, v8;
	v2 =	vsel vm2, v6, v2;
	vm1 =	vgt.f32 v5, v3  }
0x1e: {  	v4 =	vsel vm0, $0x3, v4;
	v6 =	vld [tilespmem:s16+$0x300];
	vm0 =	vgt.f32 v5, v2;
	v3 =	vsel vm1, v5, v3  }
0x1f: {  	v4 =	vsel vm2, v8, v4;
	v3 =	vsel vm0, v2, v3  }
0x20: {  	v8 =	vsel vm2, $0x3, v8;
	v2 =	vsel vm0, v5, v2;
	vm2 =	vgt.f32 v7, v3  }
0x21: {  	v4 =	vsel vm1, $0x4, v4;
	v5 =	vld [tilespmem:s16+$0x380];
	vm1 =	vgt.f32 v7, v2;
	v3 =	vsel vm2, v7, v3  }
0x22: {  	v4 =	vsel vm0, v8, v4;
	v3 =	vsel vm1, v2, v3  }
0x23: {  	v8 =	vsel vm0, $0x4, v8;
	v2 =	vsel vm1, v7, v2;
	vm0 =	vgt.f32 v6, v3  }
0x24: {  	v4 =	vsel vm2, $0x5, v4;
	v7 =	vld [tilespmem:s16+$0x1000];
	vm2 =	vgt.f32 v6, v2;
	v3 =	vsel vm0, v6, v3  }
0x25: {  	v4 =	vsel vm1, v8, v4;
	v3 =	vsel vm2, v2, v3  }
0x26: {  	v8 =	vsel vm1, $0x5, v8;
	v2 =	vsel vm2, v6, v2;
	vm1 =	vgt.f32 v5, v3  }
0x27: {  	v4 =	vsel vm0, $0x6, v4;
	v6 =	vld [tilespmem:s16+$0x1080];
	vm0 =	vgt.f32 v5, v2;
	v3 =	vsel vm1, v5, v3  }
0x28: {  	v4 =	vsel vm2, v8, v4;
	v3 =	vsel vm0, v2, v3  }
0x29: {  	v8 =	vsel vm2, $0x6, v8;
	v2 =	vsel vm0, v5, v2;
	vm2 =	vgt.f32 v7, v3  }
0x2a: {  	v4 =	vsel vm1, $0x7, v4;
	v5 =	vld [tilespmem:s16+$0x1100];
	vm1 =	vgt.f32 v7, v2;
	v3 =	vsel vm2, v7, v3  }
0x2b: {  	v4 =	vsel vm0, v8, v4;
	v3 =	vsel vm1, v2, v3  }
0x2c: {  	v8 =	vsel vm0, $0x7, v8;
	v2 =	vsel vm1, v7, v2;
	vm0 =	vgt.f32 v6, v3  }
0x2d: {  	v4 =	vsel vm2, $0x8, v4;
	v7 =	vld [tilespmem:s16+$0x1180];
	vm2 =	vgt.f32 v6, v2;
	v3 =	vsel vm0, v6, v3  }
0x2e: {  	v4 =	vsel vm1, v8, v4;
	v3 =	vsel vm2, v2, v3  }
0x2f: {  	v8 =	vsel vm1, $0x8, v8;
	v2 =	vsel vm2, v6, v2;
	vm1 =	vgt.f32 v5, v3  }
0x30: {  	v4 =	vsel vm0, $0x9, v4;
	v6 =	vld [tilespmem:s16+$0x1200];
	vm0 =	vgt.f32 v5, v2;
	v3 =	vsel vm1, v5, v3  }
0x31: {  	v4 =	vsel vm2, v8, v4;
	v8 =	vsel vm2, $0x9, v8;
	v3 =	vsel vm0, v2, v3  }
0x32: {  	v4 =	vsel vm1, $0xA, v4;
	v2 =	vsel vm0, v5, v2;
	vm1 =	vgt.f32 v7, v3  }
0x33: {  	v4 =	vsel vm0, v8, v4;
	vm2 =	vgt.f32 v7, v2;
	v5 =	vsel vm1, v7, v3;
	v3 =	vld [tilespmem:s16+$0x1280]  }
0x34: {  	v8 =	vsel vm0, $0xA, v8;
	v4 =	vsel vm1, $0xB, v4;
	v5 =	vsel vm2, v2, v5  }
0x35: {  	v4 =	vsel vm2, v8, v4;
	v2 =	vsel vm2, v7, v2;
	vm0 =	vgt.f32 v6, v5  }
0x36: {  	v8 =	vsel vm2, $0xB, v8;
	vm1 =	vgt.f32 v6, v2;
	v5 =	vsel vm0, v6, v5  }
0x37: {  	s17 =	simm.s32 $0x10;
	v7 =	vsel vm0, $0xC, v4;
	v4 =	vld [tilespmem:s16+$0x1300];
	v9 =	vsel vm1, v2, v5;
	v5 =	vsel vm1, v6, v2  }
0x38: {  	s15 =	simm.s32 $0x2;
	s19 =	simm.s32 $0x80;
	s18 =	sand.u32 $0x70, s17;
	v7 =	vsel vm1, v8, v7;
	v6 =	vsel vm1, $0xC, v8;
	vm1 =	vgt.f32 v3, v9  }
0x39: {  	s19 =	sand.u32 $0x3FFFFC00, s19;
	s13 =	simm.s32 $0x1;
	v2 =	vld [tilespmem:s16+$0x1380];
	s16 =	simm.s32 $0x0;
	vm0 =	vgt.f32 v3, v5;
	v8 =	vsel vm1, v3, v9;
	v7 =	vsel vm1, $0xD, v7  }
.LBB2_2:
0x3a: {  	p0 =	sne.s32 s15, $0x1F  }
0x3b: {  	s19 =	sor.u32 s18, s19;
	v8 =	vsel vm0, v5, v8;
	v3 =	vsel vm0, v3, v5;
	v5 =	vsel vm0, $0xD, v6;
	s20 =	smov.u32 s15;
	s15 =	sadd.s32 $0x1, s15  }
0x3c: {  	v6 =	vsel vm0, v6, v7;
	vm0 =	vgt.f32 v4, v3;
	vm1 =	vgt.f32 v4, v8  }
0x3d: {  	s21 =	sshll.u32 s16, $0x5;
	s16 =	smov.u32 s13;
	s13 =	smov.u32 s20;
	v7 =	vsel vm1, v4, v8;
	v6 =	vsel vm1, $0xE, v6;
	v4 =	vsel vm0, v4, v3  }
0x3e: {  	s20 =	sand.u32 $0xFFFFFF00, s21;
	v3 =	vsel vm0, v3, v7;
	v7 =	vsel vm0, $0xE, v5;
	vm1 =	vgt.f32 v2, v4  }
0x3f: {  	s20 =	sor.u32 s14, s20;
	s14 =	smov.u32 s18;
	v5 =	vsel vm0, v5, v6;
	vm0 =	vgt.f32 v2, v3;
	v6 =	vsel vm1, $0xF, v7  }
0x40: {  	v3 =	vsel vm0, v2, v3;
	v5 =	vsel vm0, $0xF, v5;
	v2 =	vsel vm1, v2, v4;
	[tilespmem:s20+$0x2000] =	vst v6  }
0x41: {  	v3 =	vsel vm1, v4, v3;
	v4 =	vsel vm1, v7, v5;
	vm0 =	vgt.f32 v2, $2.000000030e-01  }
0x42: {  	[tilespmem:s20+$0x2080] =	vst v4;
	v2 =	vsel vm0, $0x3F800000, v1;
	vm0 =	vgt.f32 v3, $2.000000030e-01  }
0x43: {  	[tilespmem:s20+$0x2400] =	vst v2;
	v2 =	vsel vm0, $0x3F800000, v1  }
0x44: {  	[tilespmem:s20+$0x2480] =	vst v2  }
0x45: {  	v2 =	vld [tilespmem:s19+$0x80]  }
0x46: {  	v3 =	vld [tilespmem:s19+$0x0];
	_ =	sdelay $0x2  }
0x47: {  	v4 =	vld [tilespmem:s19+$0x100]  }
0x48: {  	vm0 =	vlt.f32 v2, $-Inf;
	vm1 =	vgt.f32 v2, $-Inf  }
0x49: {  	vm2 =	vgt.f32 v2, v3;
	vm0 =	vmor vm1, vm0  }
0x4a: {  	vm1 =	vmneg vm2;
	v5 =	vnsel vm0, $0xFF800000, v2;
	v6 =	vld [tilespmem:s19+$0x180]  }
0x4b: {  	v5 =	vsel vm1, v5, v3;
	vm0 =	vmand vm1, vm0;
	v2 =	vsel vm1, v3, v2  }
0x4c: {  	v7 =	vsel vm2, $0x1, v0;
	v3 =	vsel vm0, $0x1, v0;
	vm0 =	vgt.f32 v4, v5  }
0x4d: {  	vm1 =	vgt.f32 v4, v2;
	v5 =	vsel vm0, v4, v5;
	v3 =	vsel vm0, $0x2, v3;
	v8 =	vld [tilespmem:s19+$0x200]  }
0x4e: {  	v5 =	vsel vm1, v2, v5;
	v3 =	vsel vm1, v7, v3  }
0x4f: {  	v2 =	vsel vm1, v4, v2;
	v4 =	vsel vm1, $0x2, v7;
	vm0 =	vgt.f32 v6, v5  }
0x50: {  	vm1 =	vgt.f32 v6, v2;
	v5 =	vsel vm0, v6, v5;
	v3 =	vsel vm0, $0x3, v3;
	v7 =	vld [tilespmem:s19+$0x280]  }
0x51: {  	v5 =	vsel vm1, v2, v5;
	v3 =	vsel vm1, v4, v3  }
0x52: {  	v2 =	vsel vm1, v6, v2;
	v4 =	vsel vm1, $0x3, v4;
	vm0 =	vgt.f32 v8, v5  }
0x53: {  	vm1 =	vgt.f32 v8, v2;
	v5 =	vsel vm0, v8, v5;
	v3 =	vsel vm0, $0x4, v3;
	v6 =	vld [tilespmem:s19+$0x300]  }
0x54: {  	v5 =	vsel vm1, v2, v5;
	v2 =	vsel vm1, v8, v2;
	v8 =	vsel vm1, $0x4, v4  }
0x55: {  	v3 =	vsel vm1, v4, v3;
	vm0 =	vgt.f32 v7, v5  }
0x56: {  	vm1 =	vgt.f32 v7, v2;
	v4 =	vsel vm0, v7, v5;
	v3 =	vsel vm0, $0x5, v3;
	v5 =	vld [tilespmem:s19+$0x380]  }
0x57: {  	v4 =	vsel vm1, v2, v4;
	v3 =	vsel vm1, v8, v3;
	v2 =	vsel vm1, v7, v2  }
0x58: {  	v7 =	vsel vm1, $0x5, v8;
	vm0 =	vgt.f32 v6, v4  }
0x59: {  	vm1 =	vgt.f32 v6, v2;
	v4 =	vsel vm0, v6, v4;
	v3 =	vsel vm0, $0x6, v3;
	v8 =	vld [tilespmem:s19+$0x1000]  }
0x5a: {  	v4 =	vsel vm1, v2, v4;
	v3 =	vsel vm1, v7, v3;
	v7 =	vsel vm1, $0x6, v7  }
0x5b: {  	v2 =	vsel vm1, v6, v2;
	vm0 =	vgt.f32 v5, v4  }
0x5c: {  	vm1 =	vgt.f32 v5, v2;
	v4 =	vsel vm0, v5, v4;
	v3 =	vsel vm0, $0x7, v3;
	v6 =	vld [tilespmem:s19+$0x1080]  }
0x5d: {  	v4 =	vsel vm1, v2, v4;
	v3 =	vsel vm1, v7, v3;
	v7 =	vsel vm1, $0x7, v7  }
0x5e: {  	v2 =	vsel vm1, v5, v2;
	vm0 =	vgt.f32 v8, v4  }
0x5f: {  	vm1 =	vgt.f32 v8, v2;
	v4 =	vsel vm0, v8, v4;
	v3 =	vsel vm0, $0x8, v3;
	v5 =	vld [tilespmem:s19+$0x1100]  }
0x60: {  	v4 =	vsel vm1, v2, v4;
	v3 =	vsel vm1, v7, v3;
	v2 =	vsel vm1, v8, v2  }
0x61: {  	v7 =	vsel vm1, $0x8, v7;
	vm0 =	vgt.f32 v6, v4  }
0x62: {  	vm1 =	vgt.f32 v6, v2;
	v4 =	vsel vm0, v6, v4;
	v3 =	vsel vm0, $0x9, v3;
	v8 =	vld [tilespmem:s19+$0x1180]  }
0x63: {  	v4 =	vsel vm1, v2, v4;
	v2 =	vsel vm1, v6, v2;
	v6 =	vsel vm1, $0x9, v7  }
0x64: {  	v3 =	vsel vm1, v7, v3;
	vm0 =	vgt.f32 v5, v4  }
0x65: {  	vm1 =	vgt.f32 v5, v2;
	v4 =	vsel vm0, v5, v4;
	v3 =	vsel vm0, $0xA, v3;
	v7 =	vld [tilespmem:s19+$0x1200]  }
0x66: {  	v4 =	vsel vm1, v2, v4;
	v3 =	vsel vm1, v6, v3  }
0x67: {  	v2 =	vsel vm1, v5, v2;
	v5 =	vsel vm1, $0xA, v6;
	vm0 =	vgt.f32 v8, v4  }
0x68: {  	vm1 =	vgt.f32 v8, v2;
	v4 =	vsel vm0, v8, v4;
	v6 =	vsel vm0, $0xB, v3;
	v3 =	vld [tilespmem:s19+$0x1280]  }
0x69: {  	v4 =	vsel vm1, v2, v4;
	v6 =	vsel vm1, v5, v6  }
.Ltmp0:
0x6a: {  	v2 =	vsel vm1, v8, v2;
	vm0 =	vgt.f32 v7, v4;
	(pc) =	sbr.rel @p0 .LBB2_2-.Ltmp0, $4  }
0x6b: {  	vm2 =	vgt.f32 v7, v2;
	v8 =	vsel vm0, v7, v4;
	v6 =	vsel vm0, $0xC, v6;
	v4 =	vld [tilespmem:s19+$0x1300]  }
0x6c: {  	v9 =	vsel vm1, $0xB, v5;
	v5 =	vsel vm2, v7, v2;
	v8 =	vsel vm2, v2, v8  }
0x6d: {  	s17 =	sadd.s32 $0x10, s17;
	s20 =	sshll.u32 s13, $0x7;
	v7 =	vsel vm2, v9, v6;
	v6 =	vsel vm2, $0xC, v9;
	vm1 =	vgt.f32 v3, v8;
	v2 =	vld [tilespmem:s19+$0x1380]  }
0x6e: {  	s18 =	sand.u32 $0x70, s17;
	s19 =	sand.u32 $0x3FFFFC00, s20;
	vm0 =	vgt.f32 v3, v5;
	v8 =	vsel vm1, v3, v8;
	v7 =	vsel vm1, $0xD, v7  }
0x6f: {  	v8 =	vsel vm0, v5, v8;
	v3 =	vsel vm0, v3, v5;
	v37 =	vsel vm0, $0xD, v6  }
0x70: {  	v38 =	vsel vm0, v6, v7;
	vm15 =	vgt.f32 v4, v3;
	vm1 =	vgt.f32 v4, v8  }
0x71: {  	v39 =	vsel vm1, v4, v8;
	v6 =	vsel vm1, $0xE, v38;
	v40 =	vsel vm15, v4, v3  }
0x72: {  	s15 =	sshll.u32 s16, $0x5;
	v41 =	vsel vm15, $0xE, v37;
	v3 =	vsel vm15, v3, v39;
	vm4 =	vgt.f32 v2, v40  }
0x73: {  	s15 =	sand.u32 $0xFFFFFF00, s15;
	v5 =	vsel vm15, v37, v6;
	vm5 =	vgt.f32 v2, v3;
	v42 =	vsel vm4, $0xF, v41  }
0x74: {  	s15 =	sor.u32 s14, s15;
	v3 =	vsel vm5, v2, v3;
	v5 =	vsel vm5, $0xF, v5;
	v2 =	vsel vm4, v2, v40  }
0x75: {  	[tilespmem:s15+$0x2000] =	vst v42;
	v3 =	vsel vm4, v40, v3;
	v43 =	vsel vm4, v41, v5;
	vm6 =	vgt.f32 v2, $2.000000030e-01  }
0x76: {  	[tilespmem:s15+$0x2080] =	vst v43;
	v2 =	vsel vm6, $0x3F800000, v1;
	vm7 =	vgt.f32 v3, $2.000000030e-01  }
0x77: {  	[tilespmem:s15+$0x2400] =	vst v2;
	v2 =	vsel vm7, $0x3F800000, v1  }
0x78: {  	s31 =	sor.u32 s18, s19;
	[tilespmem:s15+$0x2480] =	vst v2  }
0x79: {  	v2 =	vld [tilespmem:s31+$0x80]  }
0x7a: {  	v3 =	vld [tilespmem:s31+$0x0];
	_ =	sdelay $0x2  }
0x7b: {  	v4 =	vld [tilespmem:s31+$0x100]  }
0x7c: {  	vm8 =	vlt.f32 v2, $-Inf;
	vm9 =	vgt.f32 v2, $-Inf  }
0x7d: {  	vm2 =	vgt.f32 v2, v3;
	vm0 =	vmor vm9, vm8  }
0x7e: {  	v6 =	vld [tilespmem:s31+$0x180];
	vm10 =	vmneg vm2;
	v44 =	vnsel vm0, $0xFF800000, v2  }
0x7f: {  	v5 =	vsel vm10, v44, v3  }
0x80: {  	v2 =	vsel vm10, v3, v2;
	vm3 =	vgt.f32 v4, v5  }
0x81: {  	v45 =	vld [tilespmem:s31+$0x200];
	vm11 =	vgt.f32 v4, v2;
	v3 =	vsel vm3, v4, v5  }
0x82: {  	v47 =	vsel vm2, $0x1, v0;
	v3 =	vsel vm11, v2, v3  }
0x83: {  	vm0 =	vmand vm10, vm0;
	v2 =	vsel vm11, v4, v2;
	vm12 =	vgt.f32 v6, v3  }
0x84: {  	v49 =	vld [tilespmem:s31+$0x280];
	v46 =	vsel vm0, $0x1, v0;
	vm13 =	vgt.f32 v6, v2;
	v3 =	vsel vm12, v6, v3  }
0x85: {  	v8 =	vsel vm11, $0x2, v47;
	v48 =	vsel vm3, $0x2, v46;
	v3 =	vsel vm13, v2, v3  }
0x86: {  	v4 =	vsel vm11, v47, v48;
	v2 =	vsel vm13, v6, v2;
	vm14 =	vgt.f32 v45, v3  }
0x87: {  	v50 =	vld [tilespmem:s31+$0x300];
	v4 =	vsel vm12, $0x3, v4;
	vm15 =	vgt.f32 v45, v2;
	v3 =	vsel vm14, v45, v3  }
0x88: {  	v4 =	vsel vm13, v8, v4;
	v3 =	vsel vm15, v2, v3  }
0x89: {  	v8 =	vsel vm13, $0x3, v8;
	v2 =	vsel vm15, v45, v2;
	vm4 =	vgt.f32 v49, v3  }
0x8a: {  	v51 =	vld [tilespmem:s31+$0x380];
	v4 =	vsel vm14, $0x4, v4;
	vm5 =	vgt.f32 v49, v2;
	v3 =	vsel vm4, v49, v3  }
0x8b: {  	v4 =	vsel vm15, v8, v4;
	v3 =	vsel vm5, v2, v3  }
0x8c: {  	v8 =	vsel vm15, $0x4, v8;
	v2 =	vsel vm5, v49, v2;
	vm6 =	vgt.f32 v50, v3  }
0x8d: {  	v52 =	vld [tilespmem:s31+$0x1000];
	v4 =	vsel vm4, $0x5, v4;
	vm7 =	vgt.f32 v50, v2;
	v3 =	vsel vm6, v50, v3  }
0x8e: {  	v4 =	vsel vm5, v8, v4;
	v3 =	vsel vm7, v2, v3  }
0x8f: {  	v8 =	vsel vm5, $0x5, v8;
	v2 =	vsel vm7, v50, v2;
	vm8 =	vgt.f32 v51, v3  }
0x90: {  	v53 =	vld [tilespmem:s31+$0x1080];
	v4 =	vsel vm6, $0x6, v4;
	vm9 =	vgt.f32 v51, v2;
	v3 =	vsel vm8, v51, v3  }
0x91: {  	v4 =	vsel vm7, v8, v4;
	v3 =	vsel vm9, v2, v3  }
0x92: {  	v8 =	vsel vm7, $0x6, v8;
	v2 =	vsel vm9, v51, v2;
	vm10 =	vgt.f32 v52, v3  }
0x93: {  	v54 =	vld [tilespmem:s31+$0x1100];
	v4 =	vsel vm8, $0x7, v4;
	vm11 =	vgt.f32 v52, v2;
	v3 =	vsel vm10, v52, v3  }
0x94: {  	v4 =	vsel vm9, v8, v4;
	v3 =	vsel vm11, v2, v3  }
0x95: {  	v8 =	vsel vm9, $0x7, v8;
	v2 =	vsel vm11, v52, v2;
	vm12 =	vgt.f32 v53, v3  }
0x96: {  	v55 =	vld [tilespmem:s31+$0x1180];
	v4 =	vsel vm10, $0x8, v4;
	vm13 =	vgt.f32 v53, v2;
	v3 =	vsel vm12, v53, v3  }
0x97: {  	v4 =	vsel vm11, v8, v4;
	v3 =	vsel vm13, v2, v3  }
0x98: {  	v8 =	vsel vm11, $0x8, v8;
	v2 =	vsel vm13, v53, v2;
	vm14 =	vgt.f32 v54, v3  }
0x99: {  	v56 =	vld [tilespmem:s31+$0x1200];
	v4 =	vsel vm12, $0x9, v4;
	vm15 =	vgt.f32 v54, v2;
	v3 =	vsel vm14, v54, v3  }
0x9a: {  	v4 =	vsel vm13, v8, v4;
	v8 =	vsel vm13, $0x9, v8;
	v3 =	vsel vm15, v2, v3  }
0x9b: {  	v4 =	vsel vm14, $0xA, v4;
	v2 =	vsel vm15, v54, v2;
	vm4 =	vgt.f32 v55, v3  }
0x9c: {  	v57 =	vld [tilespmem:s31+$0x1280];
	v4 =	vsel vm15, v8, v4;
	vm5 =	vgt.f32 v55, v2;
	v3 =	vsel vm4, v55, v3  }
0x9d: {  	v8 =	vsel vm15, $0xA, v8;
	v4 =	vsel vm4, $0xB, v4;
	v3 =	vsel vm5, v2, v3  }
0x9e: {  	v4 =	vsel vm5, v8, v4;
	v2 =	vsel vm5, v55, v2;
	vm6 =	vgt.f32 v56, v3  }
0x9f: {  	v58 =	vld [tilespmem:s31+$0x1300];
	v8 =	vsel vm5, $0xB, v8;
	vm7 =	vgt.f32 v56, v2;
	v3 =	vsel vm6, v56, v3  }
0xa0: {  	v4 =	vsel vm6, $0xC, v4;
	v59 =	vsel vm7, $0xC, v8;
	v3 =	vsel vm7, v2, v3  }
0xa1: {  	v60 =	vld [tilespmem:s31+$0x1380];
	v2 =	vsel vm7, v56, v2;
	v4 =	vsel vm7, v8, v4;
	vm8 =	vgt.f32 v57, v3  }
0xa2: {  	vm9 =	vgt.f32 v57, v2;
	v3 =	vsel vm8, v57, v3;
	v4 =	vsel vm8, $0xD, v4  }
0xa3: {  	v61 =	vsel vm9, $0xD, v59;
	v3 =	vsel vm9, v2, v3;
	v2 =	vsel vm9, v57, v2  }
0xa4: {  	v4 =	vsel vm9, v59, v4;
	vm10 =	vgt.f32 v58, v2;
	vm11 =	vgt.f32 v58, v3  }
0xa5: {  	v3 =	vsel vm11, v58, v3;
	v4 =	vsel vm11, $0xE, v4;
	v62 =	vsel vm10, v58, v2  }
0xa6: {  	s13 =	sshll.u32 s13, $0x5;
	v2 =	vsel vm10, v2, v3;
	v3 =	vsel vm10, $0xE, v61;
	vm12 =	vgt.f32 v60, v62  }
0xa7: {  	s13 =	sand.u32 $0xFFFFFF00, s13;
	v4 =	vsel vm10, v61, v4;
	vm13 =	vgt.f32 v60, v2;
	v63 =	vsel vm12, $0xF, v3  }
0xa8: {  	s13 =	sor.u32 s18, s13;
	v7 =	vsel vm12, v60, v62;
	v2 =	vsel vm13, v60, v2;
	v4 =	vsel vm13, $0xF, v4  }
0xa9: {  	[tilespmem:s13+$0x2000] =	vst v63;
	vm14 =	vgt.f32 v7, $2.000000030e-01;
	v2 =	vsel vm12, v62, v2;
	v3 =	vsel vm12, v3, v4  }
0xaa: {  	[tilespmem:s13+$0x2080] =	vst v3;
	v3 =	vsel vm14, $0x3F800000, v1;
	vm15 =	vgt.f32 v2, $2.000000030e-01  }
0xab: {  	[tilespmem:s13+$0x2400] =	vst v3;
	v2 =	vsel vm15, $0x3F800000, v1  }
0xac: {  	[tilespmem:s13+$0x2480] =	vst v2  }
0xad: {  	[hbm4b:s4+s2] =	stream.linear.scatter [tilespmem:s10], [sflag:$0x1], $0x400, $0x38;
	[tilespmem:$0x2800] =	vst v63  }
0xae: {  	s12 =	sadd.s32 $0x1, s12;
	_ =	swait.ge [sflag:s9], $0x400  }
0xaf: {  	p0 =	sne.s32 s12, s6;
	[sflag:s9] =	ssyncset.done $0x0  }
.Ltmp1:
0xb0: {  	[sflag:s9] =	ssyncadd.s32 $0xFFFFFC00;
	(pc) =	sbr.rel @p0 .LBB2_1-.Ltmp1, $4  }
0xb1: {  	[hbm4b:s5+s2] =	stream.linear.scatter [tilespmem:s11], [sflag:$0x1], $0x400, $0x38;
	[tilespmem:$0x2800] =	vst v63  }
0xb2: {  	_ =	swait.ge [sflag:s9], $0x400  }
0xb3: {  	[sflag:s9] =	ssyncset.done $0x0  }
0xb4: {  	[sflag:s9] =	ssyncadd.s32 $0xFFFFFC00  }
0xb5: {  	_ =	sfence.sel $0x180000  }
0xb6: {  	[bflag:$0x0] =	sbarrier.arrive $0xFFFF  }
0xb7: {  	p0 =	sne.s32 s1, $0x0;
	_ =	strace $0x90000047  }
0xb8: {  	s0 =	sadd.s32 @!p0 $0x100000, s0;
	[bflag:$0x2] =	sbarrier.arrive $0xFFFF  }
0xb9: {  	[sflag:s0] =	ssyncadd.tile.s32 @!p0 $0x1;
	_ =	shalt  }
.Lfunc_end2:
_tile_overlayer_lowered:
.L_overlay_start_2:
0xba: {  	(tag) =	ssettag $0x2  }
0xbb: {  	s0 =	rddreg [dreg:$0x0];
	s2 =	stileid.u32  }
0xbc: {  	s1 =	rddreg [dreg:$0x1];
	p0 =	sne.s32 s2, $0x0  }
0xbd: {  	s3 =	rddreg [dreg:$0x2];
	[bflag:$0x3] =	sbarrier.arrive $0xFFFF;
	s2 =	simm.s32 @!p0 $0x1C01  }
0xbe: {  	[timem:s3], [sflag:s2] =	dma.local @!p0 [hbm:s0], s1  }
0xbf: {  	s0 =	simm.s32 @!p0 $0x1  }
0xc0: {  	_ =	swait.ge @!p0 [sflag:s0], s1  }
0xc1: {  	s1 =	ssub.s32 @!p0 $0x0, s1;
	[sflag:s0] =	ssyncset.done @!p0 $0x0  }
0xc2: {  	[sflag:s0] =	ssyncadd.s32 @!p0 s1  }
0xc3: {  	[bflag:$0x3] =	sbarrier.arrive $0xFFFF  }
0xc4: {  	_ =	shalt  }

</sc_bundles>
